<compile_context>
chip_gen: v7x
topology: tpu7x:2x2x1
jax: 0.10.2.dev20260603
libtpu: 0.0.44.dev20260713+nightly
codegen_flags: <defaults>
</compile_context>

<pallas_src>
import functools

import jax
import jax.numpy as jnp
from jax import lax
from jax.experimental import pallas as pl
from jax.experimental.pallas import tpu as pltpu
from jax.experimental.pallas import tpu_sc as plsc

B, N, MC = 8, 1024, 16
F = 256
CONV = 512
NUM_LABELS = 128
_CHUNK = 128


def _sc_embedding_gather(emb, node2d):
    info = plsc.get_sparse_core_info()
    nc, ns = info.num_cores, info.num_subcores
    nw = nc * ns
    total_chunks = (B * N) // _CHUNK
    chunks_per_w = total_chunks // nw
    mesh = plsc.VectorSubcoreMesh(core_axis_name="c", subcore_axis_name="s")

    @functools.partial(
        pl.kernel,
        mesh=mesh,
        out_type=jax.ShapeDtypeStruct((B * N, F), jnp.float32),
        scratch_types=[
            pltpu.VMEM((chunks_per_w, _CHUNK), jnp.int32),
            pltpu.VMEM((chunks_per_w, _CHUNK, F), jnp.float32),
            pltpu.SemaphoreType.DMA,
        ],
    )
    def gather_kernel(emb_hbm, idx_hbm, out_hbm, idx_v, rows_v, sem):
        wid = lax.axis_index("s") * nc + lax.axis_index("c")
        first = wid * chunks_per_w
        pltpu.sync_copy(idx_hbm.at[pl.ds(first, chunks_per_w)], idx_v)
        copies = [
            pltpu.async_copy(emb_hbm.at[idx_v.at[j]], rows_v.at[j], sem)
            for j in range(chunks_per_w)
        ]
        for c in copies:
            c.wait()
        for j in range(chunks_per_w):
            pltpu.sync_copy(
                rows_v.at[j], out_hbm.at[pl.ds((first + j) * _CHUNK, _CHUNK)]
            )

    return gather_kernel(emb, node2d)


def _tc_body(ch_ref, nodes_ref, w_all_ref, bc_ref, whl_ref, bhl_ref, out_ref,
             a_r_ref, a_m_ref, cr_ref):
    ch = ch_ref[0]
    nodes = nodes_ref[0]

    maskf = jnp.where(ch != 0, 1.0, 0.0)
    nsib = jnp.sum(maskf, axis=0, keepdims=True)
    single = nsib == 1.0
    denom = jnp.where(single, 1.0, nsib - 1.0)
    islot = lax.broadcasted_iota(jnp.int32, (MC, N), 0)
    cidx = islot.astype(jnp.float32)
    slot0 = islot == 0
    r_reg = cidx / denom
    r_one = jnp.where(slot0, 0.5, 0.0)
    r_coef = jnp.where(single, r_one, r_reg)
    cr_ref[...] = r_coef

    iota_m = lax.broadcasted_iota(jnp.int32, (N, N), 0)

    def slot_planes(c):
        ch_c = ch_ref[0, pl.ds(c, 1), :]
        eq = iota_m == ch_c
        r_row = cr_ref[pl.ds(c, 1), :]
        dr = jnp.where(eq, r_row, 0.0)
        dm = jnp.where(eq, 1.0, 0.0)
        return dr, dm

    dr0, dm0 = slot_planes(0)
    a_r_ref[...] = dr0
    a_m_ref[...] = dm0

    def body(c, carry):
        dr, dm = slot_planes(c)
        a_r_ref[...] += dr
        a_m_ref[...] += dm
        return carry

    lax.fori_loop(1, MC, body, 0)

    row0 = lax.broadcasted_iota(jnp.int32, (N, F), 0) == 0
    nodes0 = jnp.where(row0, 0.0, nodes)

    dn = (((0,), (0,)), ((), ()))
    comb_r = lax.dot_general(a_r_ref[...], nodes0, dn,
                             preferred_element_type=jnp.float32)
    s_sum = lax.dot_general(a_m_ref[...], nodes0, dn,
                            preferred_element_type=jnp.float32)
    comb_l = s_sum - comb_r

    x = jnp.concatenate([nodes, comb_r, comb_l], axis=1)
    y = jnp.dot(x, w_all_ref[...], preferred_element_type=jnp.float32)
    conv = jnp.tanh(y + bc_ref[...])
    pooled = jnp.max(conv, axis=0, keepdims=True)
    out = lax.dot_general(pooled, whl_ref[...], (((1,), (1,)), ((), ())),
                          preferred_element_type=jnp.float32)
    out_ref[0] = out + bhl_ref[...]


def _tc_conv(ch_t, nodes3, w_all, b_conv2, w_hl, b_hl2, interpret=False):
    return pl.pallas_call(
        _tc_body,
        grid=(B,),
        in_specs=[
            pl.BlockSpec((1, MC, N), lambda b: (b, 0, 0)),
            pl.BlockSpec((1, N, F), lambda b: (b, 0, 0)),
            pl.BlockSpec((3 * F, CONV), lambda b: (0, 0)),
            pl.BlockSpec((1, CONV), lambda b: (0, 0)),
            pl.BlockSpec((NUM_LABELS, CONV), lambda b: (0, 0)),
            pl.BlockSpec((1, NUM_LABELS), lambda b: (0, 0)),
        ],
        out_specs=pl.BlockSpec((1, 1, NUM_LABELS), lambda b: (b, 0, 0)),
        out_shape=jax.ShapeDtypeStruct((B, 1, NUM_LABELS), jnp.float32),
        scratch_shapes=[
            pltpu.VMEM((N, N), jnp.float32),
            pltpu.VMEM((N, N), jnp.float32),
            pltpu.VMEM((MC, N), jnp.float32),
        ],
        compiler_params=pltpu.CompilerParams(
            dimension_semantics=("arbitrary",)),
        interpret=interpret,
    )(ch_t, nodes3, w_all, b_conv2, w_hl, b_hl2)


def kernel(node, children, emb, w_t, w_l, w_r, b_conv, w_hl, b_hl):
    node2d = node.reshape((B * N) // _CHUNK, _CHUNK).astype(jnp.int32)
    nodes = _sc_embedding_gather(emb, node2d)
    nodes3 = nodes.reshape(B, N, F)
    ch_t = jnp.swapaxes(children, 1, 2).astype(jnp.int32)
    w_all = (jnp.concatenate([w_t, w_r, w_l], axis=0)
             .reshape(F, 3, CONV).swapaxes(0, 1).reshape(3 * F, CONV))
    out3 = _tc_conv(ch_t, nodes3, w_all, b_conv.reshape(1, CONV), w_hl,
                    b_hl.reshape(1, NUM_LABELS))
    return out3.reshape(B, NUM_LABELS)

# --- scband reference (transcript-rebuilt; emitter-appended) ---
"""Pipeline reference for scband-tbcnn-35141422415933 (READ-ONLY COPY).

The authoritative reference and input builder live on the scoring server;
editing this copy changes nothing except your own understanding.
"""

import jax, jax.numpy as jnp
import numpy as np

B, N, MC = 8, 1024, 16
V = 10000
F = 256
CONV = 512
NUM_LABELS = 128


def setup_inputs(seed: int = 0) -> dict:
    key = jax.random.key(seed)
    ks = jax.random.split(key, 9)
    node = jax.random.randint(ks[0], (B, N), 0, V + 1)
    children = jax.random.randint(ks[1], (B, N, MC), 0, N)
    emb = jax.random.normal(ks[2], (V + 1, F), dtype=jnp.float32) * 0.02
    emb = emb.at[0].set(0.0)  # padding_idx=0
    w_t = jax.random.normal(ks[3], (F, CONV), dtype=jnp.float32) * 0.02
    w_l = jax.random.normal(ks[4], (F, CONV), dtype=jnp.float32) * 0.02
    w_r = jax.random.normal(ks[5], (F, CONV), dtype=jnp.float32) * 0.02
    b_conv = jnp.zeros((CONV,), dtype=jnp.float32)
    w_hl = jax.random.normal(ks[6], (NUM_LABELS, CONV), dtype=jnp.float32) * 0.02
    b_hl = jnp.zeros((NUM_LABELS,), dtype=jnp.float32)
    return {"node": node, "children": children, "emb": emb, "w_t": w_t,
            "w_l": w_l, "w_r": w_r, "b_conv": b_conv, "w_hl": w_hl, "b_hl": b_hl}


def _tbcnn_forward(node, children, emb, w_t, w_l, w_r, b_conv, w_hl, b_hl):
    nodes = jnp.take(emb, node, axis=0)  # [B, N, F] embedding lookup
    # children_tensor: position 0 maps to zero vector
    zero_vecs = jnp.zeros((B, 1, F), dtype=nodes.dtype)
    vector_lookup = jnp.concatenate([zero_vecs, nodes[:, 1:, :]], axis=1)  # [B, N, F]
    batch_idx = jnp.arange(B)[:, None, None]
    children_vectors = vector_lookup[batch_idx, children]  # [B, N, MC, F] batched gather
    tree_tensor = jnp.concatenate([nodes[:, :, None, :], children_vectors], axis=2)  # [B, N, MC+1, F]
    ch_f = children.astype(jnp.float32)
    mask = jnp.concatenate([jnp.zeros((B, N, 1)), jnp.minimum(ch_f, 1.0)], axis=2)  # [B, N, MC+1]
    # eta_t
    c_t = jnp.broadcast_to(
        jnp.concatenate([jnp.ones((N, 1)), jnp.zeros((N, MC))], axis=1)[None], (B, N, MC + 1))
    # eta_r
    num_siblings = jnp.sum((children != 0).astype(jnp.float32), axis=2, keepdims=True)
    num_siblings = jnp.broadcast_to(num_siblings, (B, N, MC + 1))
    child_indices = jnp.arange(-1.0, float(MC), 1.0)[None, None, :] * mask
    singles = jnp.concatenate(
        [jnp.zeros((B, N, 1)), jnp.full((B, N, 1), 0.5), jnp.zeros((B, N, MC - 1))], axis=2)
    denom = jnp.where(num_siblings == 1.0, 1.0, num_siblings - 1.0)  # safe denom
    c_r = jnp.where(num_siblings == 1.0, singles, (1.0 - c_t) * (child_indices / denom))
    # eta_l
    c_l = (1.0 - c_t) * (1.0 - c_r) * mask
    coef = jnp.stack([c_t, c_r, c_l], axis=3)  # [B, N, MC+1, 3]
    weights = jnp.stack([w_t, w_r, w_l], axis=0)  # [3, F, CONV]
    x = B * N
    y = MC + 1
    result = tree_tensor.reshape(x, y, F)
    coef2 = coef.reshape(x, y, 3)
    result = jnp.matmul(jnp.transpose(result, (0, 2, 1)), coef2)  # [x, F, 3]
    result = result.reshape(B, N, 3, F)  # same row-major reinterpretation as torch
    result = jnp.tensordot(result, weights, axes=[[2, 3], [0, 1]])  # [B, N, CONV]
    conv = jnp.tanh(result + b_conv)
    pooled = jnp.max(conv, axis=1)  # dynamic max pooling over tree nodes
    return pooled @ w_hl.T + b_hl  # hidden2label Linear(CONV, 128)


def reference(node, children, emb, w_t, w_l, w_r, b_conv, w_hl, b_hl):
    return _tbcnn_forward(node, children, emb, w_t, w_l, w_r, b_conv, w_hl, b_hl)

if __name__ == "__main__":
    import jax
    _d = setup_inputs()
    print(jax.jit(kernel)(*tuple(_d.values())))

</pallas_src>

<mosaic_0001>
#map = affine_map<(d0, d1) -> (0, 0)>
module attributes {stable_mosaic.version = 14 : i64} {
  func.func @gather_kernel(%arg0: i32, %arg1: i32, %arg2: memref<10001x256xf32, #tpu.memory_space<hbm>>, %arg3: memref<64x128xi32, #tpu.memory_space<hbm>>, %arg4: memref<8192x256xf32, #tpu.memory_space<hbm>>, %arg5: memref<2x128xi32, #tpu.memory_space<vmem>>, %arg6: memref<2x128x256xf32, #tpu.memory_space<vmem>>, %arg7: memref<!tpu.dma_semaphore, #tpu.memory_space<semaphore_mem>>) attributes {dimension_semantics = [#tpu.dimension_semantics<core_parallel>, #tpu.dimension_semantics<subcore_parallel>], iteration_bounds = array<i64: 2, 16>, scalar_prefetch = 0 : i64, scratch_operands = 3 : i64, tpu.core_type = #tpu.core_type<sc_vector_subcore>, window_params = [{transform_indices = #map}, {transform_indices = #map}, {transform_indices = #map}]} {
    %mul3A = arith.constant 2 : i32
    %mul3A_0 = arith.muli %arg1, %mul3A : i32
    %add3A = arith.addi %mul3A_0, %arg0 : i32
    %mul3A_1 = arith.constant 2 : i32
    %mul3A_2 = arith.muli %add3A, %mul3A_1 : i32
    "tpu.region"() ({
      %run_scoped3A_58 = tpu.sem_alloc : memref<!tpu.dma_semaphore, #tpu.memory_space<semaphore_mem>>
      %dma_start3A_59 = arith.constant 0 : i32
      %dma_start3A_60 = tpu.memref_slice %arg3[%mul3A_2, %dma_start3A_59] : memref<64x128xi32, #tpu.memory_space<hbm>> -> memref<2x128xi32, #tpu.memory_space<hbm>>
      %dma_start3A_61 = arith.constant 0 : i32
      %dma_start3A_62 = tpu.memref_slice %arg3[%mul3A_2, %dma_start3A_61] : memref<64x128xi32, #tpu.memory_space<hbm>> -> memref<2x128xi32, #tpu.memory_space<hbm>>
      tpu.enqueue_dma source(%dma_start3A_62 : memref<2x128xi32, #tpu.memory_space<hbm>>) target(%arg5 : memref<2x128xi32, #tpu.memory_space<vmem>>) target_semaphore(%run_scoped3A_58 : memref<!tpu.dma_semaphore, #tpu.memory_space<semaphore_mem>>)
      %dma_wait3A_63 = arith.constant 0 : i32
      %dma_wait3A_64 = tpu.memref_slice %arg3[%mul3A_2, %dma_wait3A_63] : memref<64x128xi32, #tpu.memory_space<hbm>> -> memref<2x128xi32, #tpu.memory_space<hbm>>
      %dma_wait3A_65 = arith.constant 0 : i32
      %dma_wait3A_66 = tpu.memref_slice %arg3[%mul3A_2, %dma_wait3A_65] : memref<64x128xi32, #tpu.memory_space<hbm>> -> memref<2x128xi32, #tpu.memory_space<hbm>>
      tpu.wait_dma2 semaphore(%run_scoped3A_58 : memref<!tpu.dma_semaphore, #tpu.memory_space<semaphore_mem>>) src(%dma_wait3A_66 : memref<2x128xi32, #tpu.memory_space<hbm>>) dst(%arg5 : memref<2x128xi32, #tpu.memory_space<vmem>>)
      tpu.yield
    }) : () -> ()
    %dma_start3A = arith.constant 0 : i32
    %dma_start3A_3 = arith.constant 0 : i32
    %dma_start3A_4 = arith.constant 0 : i32
    %dma_start3A_5 = arith.constant 0 : i32
    %dma_start3A_6 = tpu.memref_slice %arg6[%dma_start3A_3, %dma_start3A_4, %dma_start3A_5] : memref<2x128x256xf32, #tpu.memory_space<vmem>> -> memref<1x128x256xf32, #tpu.memory_space<vmem>>
    %dma_start3A_7 = tpu.memref_squeeze %dma_start3A_6 : memref<1x128x256xf32, #tpu.memory_space<vmem>> -> memref<128x256xf32, #tpu.memory_space<vmem>>
    %dma_start3A_8 = arith.constant 0 : i32
    %dma_start3A_9 = tpu.memref_slice %arg5[%dma_start3A, %dma_start3A_8] : memref<2x128xi32, #tpu.memory_space<vmem>> -> memref<1x128xi32, #tpu.memory_space<vmem>>
    %dma_start3A_10 = tpu.memref_squeeze %dma_start3A_9 : memref<1x128xi32, #tpu.memory_space<vmem>> -> memref<128xi32, #tpu.memory_space<vmem>>
    %dma_start3A_11 = arith.constant 0 : i32
    %dma_start3A_12 = arith.constant 0 : i32
    %dma_start3A_13 = tpu.memref_slice %arg2[%dma_start3A_11, %dma_start3A_12] : memref<10001x256xf32, #tpu.memory_space<hbm>> -> memref<10001x256xf32, #tpu.memory_space<hbm>>
    tpu.enqueue_indirect_dma source(%dma_start3A_13 : memref<10001x256xf32, #tpu.memory_space<hbm>>) target(%dma_start3A_7 : memref<128x256xf32, #tpu.memory_space<vmem>>) offsets(%dma_start3A_10 : memref<128xi32, #tpu.memory_space<vmem>>) semaphore(%arg7 : memref<!tpu.dma_semaphore, #tpu.memory_space<semaphore_mem>>)
    %dma_start3A_14 = arith.constant 1 : i32
    %dma_start3A_15 = arith.constant 1 : i32
    %dma_start3A_16 = arith.constant 0 : i32
    %dma_start3A_17 = arith.constant 0 : i32
    %dma_start3A_18 = tpu.memref_slice %arg6[%dma_start3A_15, %dma_start3A_16, %dma_start3A_17] : memref<2x128x256xf32, #tpu.memory_space<vmem>> -> memref<1x128x256xf32, #tpu.memory_space<vmem>>
    %dma_start3A_19 = tpu.memref_squeeze %dma_start3A_18 : memref<1x128x256xf32, #tpu.memory_space<vmem>> -> memref<128x256xf32, #tpu.memory_space<vmem>>
    %dma_start3A_20 = arith.constant 0 : i32
    %dma_start3A_21 = tpu.memref_slice %arg5[%dma_start3A_14, %dma_start3A_20] : memref<2x128xi32, #tpu.memory_space<vmem>> -> memref<1x128xi32, #tpu.memory_space<vmem>>
    %dma_start3A_22 = tpu.memref_squeeze %dma_start3A_21 : memref<1x128xi32, #tpu.memory_space<vmem>> -> memref<128xi32, #tpu.memory_space<vmem>>
    %dma_start3A_23 = arith.constant 0 : i32
    %dma_start3A_24 = arith.constant 0 : i32
    %dma_start3A_25 = tpu.memref_slice %arg2[%dma_start3A_23, %dma_start3A_24] : memref<10001x256xf32, #tpu.memory_space<hbm>> -> memref<10001x256xf32, #tpu.memory_space<hbm>>
    tpu.enqueue_indirect_dma source(%dma_start3A_25 : memref<10001x256xf32, #tpu.memory_space<hbm>>) target(%dma_start3A_19 : memref<128x256xf32, #tpu.memory_space<vmem>>) offsets(%dma_start3A_22 : memref<128xi32, #tpu.memory_space<vmem>>) semaphore(%arg7 : memref<!tpu.dma_semaphore, #tpu.memory_space<semaphore_mem>>)
    %dma_wait3A = arith.constant 0 : i32
    %dma_wait3A_26 = arith.constant 0 : i32
    %dma_wait3A_27 = arith.constant 0 : i32
    %dma_wait3A_28 = arith.constant 0 : i32
    %dma_wait3A_29 = tpu.memref_slice %arg6[%dma_wait3A_26, %dma_wait3A_27, %dma_wait3A_28] : memref<2x128x256xf32, #tpu.memory_space<vmem>> -> memref<1x128x256xf32, #tpu.memory_space<vmem>>
    %dma_wait3A_30 = tpu.memref_squeeze %dma_wait3A_29 : memref<1x128x256xf32, #tpu.memory_space<vmem>> -> memref<128x256xf32, #tpu.memory_space<vmem>>
    %dma_wait3A_31 = arith.constant 0 : i32
    %dma_wait3A_32 = tpu.memref_slice %arg5[%dma_wait3A, %dma_wait3A_31] : memref<2x128xi32, #tpu.memory_space<vmem>> -> memref<1x128xi32, #tpu.memory_space<vmem>>
    %dma_wait3A_33 = tpu.memref_squeeze %dma_wait3A_32 : memref<1x128xi32, #tpu.memory_space<vmem>> -> memref<128xi32, #tpu.memory_space<vmem>>
    %dma_wait3A_34 = arith.constant 0 : i32
    %dma_wait3A_35 = arith.constant 0 : i32
    %dma_wait3A_36 = tpu.memref_slice %arg2[%dma_wait3A_34, %dma_wait3A_35] : memref<10001x256xf32, #tpu.memory_space<hbm>> -> memref<10001x256xf32, #tpu.memory_space<hbm>>
    tpu.wait_indirect_dma semaphore(%arg7 : memref<!tpu.dma_semaphore, #tpu.memory_space<semaphore_mem>>) src(%dma_wait3A_36 : memref<10001x256xf32, #tpu.memory_space<hbm>>) dst(%dma_wait3A_30 : memref<128x256xf32, #tpu.memory_space<vmem>>)
    %dma_wait3A_37 = arith.constant 1 : i32
    %dma_wait3A_38 = arith.constant 1 : i32
    %dma_wait3A_39 = arith.constant 0 : i32
    %dma_wait3A_40 = arith.constant 0 : i32
    %dma_wait3A_41 = tpu.memref_slice %arg6[%dma_wait3A_38, %dma_wait3A_39, %dma_wait3A_40] : memref<2x128x256xf32, #tpu.memory_space<vmem>> -> memref<1x128x256xf32, #tpu.memory_space<vmem>>
    %dma_wait3A_42 = tpu.memref_squeeze %dma_wait3A_41 : memref<1x128x256xf32, #tpu.memory_space<vmem>> -> memref<128x256xf32, #tpu.memory_space<vmem>>
    %dma_wait3A_43 = arith.constant 0 : i32
    %dma_wait3A_44 = tpu.memref_slice %arg5[%dma_wait3A_37, %dma_wait3A_43] : memref<2x128xi32, #tpu.memory_space<vmem>> -> memref<1x128xi32, #tpu.memory_space<vmem>>
    %dma_wait3A_45 = tpu.memref_squeeze %dma_wait3A_44 : memref<1x128xi32, #tpu.memory_space<vmem>> -> memref<128xi32, #tpu.memory_space<vmem>>
    %dma_wait3A_46 = arith.constant 0 : i32
    %dma_wait3A_47 = arith.constant 0 : i32
    %dma_wait3A_48 = tpu.memref_slice %arg2[%dma_wait3A_46, %dma_wait3A_47] : memref<10001x256xf32, #tpu.memory_space<hbm>> -> memref<10001x256xf32, #tpu.memory_space<hbm>>
    tpu.wait_indirect_dma semaphore(%arg7 : memref<!tpu.dma_semaphore, #tpu.memory_space<semaphore_mem>>) src(%dma_wait3A_48 : memref<10001x256xf32, #tpu.memory_space<hbm>>) dst(%dma_wait3A_42 : memref<128x256xf32, #tpu.memory_space<vmem>>)
    %add3A_49 = arith.constant 0 : i32
    %add3A_50 = arith.addi %mul3A_2, %add3A_49 : i32
    %mul3A_51 = arith.constant 128 : i32
    %mul3A_52 = arith.muli %add3A_50, %mul3A_51 : i32
    %run_scoped3A = arith.constant 0 : i32
    "tpu.region"() ({
      %run_scoped3A_58 = tpu.sem_alloc : memref<!tpu.dma_semaphore, #tpu.memory_space<semaphore_mem>>
      %dma_start3A_59 = arith.constant 0 : i32
      %dma_start3A_60 = arith.constant 0 : i32
      %dma_start3A_61 = tpu.memref_slice %arg6[%run_scoped3A, %dma_start3A_59, %dma_start3A_60] : memref<2x128x256xf32, #tpu.memory_space<vmem>> -> memref<1x128x256xf32, #tpu.memory_space<vmem>>
      %dma_start3A_62 = tpu.memref_squeeze %dma_start3A_61 : memref<1x128x256xf32, #tpu.memory_space<vmem>> -> memref<128x256xf32, #tpu.memory_space<vmem>>
      %dma_start3A_63 = arith.constant 0 : i32
      %dma_start3A_64 = tpu.memref_slice %arg4[%mul3A_52, %dma_start3A_63] : memref<8192x256xf32, #tpu.memory_space<hbm>> -> memref<128x256xf32, #tpu.memory_space<hbm>>
      %dma_start3A_65 = arith.constant 0 : i32
      %dma_start3A_66 = tpu.memref_slice %arg4[%mul3A_52, %dma_start3A_65] : memref<8192x256xf32, #tpu.memory_space<hbm>> -> memref<128x256xf32, #tpu.memory_space<hbm>>
      %dma_start3A_67 = arith.constant 0 : i32
      %dma_start3A_68 = arith.constant 0 : i32
      %dma_start3A_69 = tpu.memref_slice %arg6[%run_scoped3A, %dma_start3A_67, %dma_start3A_68] : memref<2x128x256xf32, #tpu.memory_space<vmem>> -> memref<1x128x256xf32, #tpu.memory_space<vmem>>
      %dma_start3A_70 = tpu.memref_squeeze %dma_start3A_69 : memref<1x128x256xf32, #tpu.memory_space<vmem>> -> memref<128x256xf32, #tpu.memory_space<vmem>>
      tpu.enqueue_dma source(%dma_start3A_70 : memref<128x256xf32, #tpu.memory_space<vmem>>) target(%dma_start3A_66 : memref<128x256xf32, #tpu.memory_space<hbm>>) target_semaphore(%run_scoped3A_58 : memref<!tpu.dma_semaphore, #tpu.memory_space<semaphore_mem>>)
      %dma_wait3A_71 = arith.constant 0 : i32
      %dma_wait3A_72 = arith.constant 0 : i32
      %dma_wait3A_73 = tpu.memref_slice %arg6[%run_scoped3A, %dma_wait3A_71, %dma_wait3A_72] : memref<2x128x256xf32, #tpu.memory_space<vmem>> -> memref<1x128x256xf32, #tpu.memory_space<vmem>>
      %dma_wait3A_74 = tpu.memref_squeeze %dma_wait3A_73 : memref<1x128x256xf32, #tpu.memory_space<vmem>> -> memref<128x256xf32, #tpu.memory_space<vmem>>
      %dma_wait3A_75 = arith.constant 0 : i32
      %dma_wait3A_76 = tpu.memref_slice %arg4[%mul3A_52, %dma_wait3A_75] : memref<8192x256xf32, #tpu.memory_space<hbm>> -> memref<128x256xf32, #tpu.memory_space<hbm>>
      %dma_wait3A_77 = arith.constant 0 : i32
      %dma_wait3A_78 = tpu.memref_slice %arg4[%mul3A_52, %dma_wait3A_77] : memref<8192x256xf32, #tpu.memory_space<hbm>> -> memref<128x256xf32, #tpu.memory_space<hbm>>
      %dma_wait3A_79 = arith.constant 0 : i32
      %dma_wait3A_80 = arith.constant 0 : i32
      %dma_wait3A_81 = tpu.memref_slice %arg6[%run_scoped3A, %dma_wait3A_79, %dma_wait3A_80] : memref<2x128x256xf32, #tpu.memory_space<vmem>> -> memref<1x128x256xf32, #tpu.memory_space<vmem>>
      %dma_wait3A_82 = tpu.memref_squeeze %dma_wait3A_81 : memref<1x128x256xf32, #tpu.memory_space<vmem>> -> memref<128x256xf32, #tpu.memory_space<vmem>>
      tpu.wait_dma2 semaphore(%run_scoped3A_58 : memref<!tpu.dma_semaphore, #tpu.memory_space<semaphore_mem>>) src(%dma_wait3A_82 : memref<128x256xf32, #tpu.memory_space<vmem>>) dst(%dma_wait3A_78 : memref<128x256xf32, #tpu.memory_space<hbm>>)
      tpu.yield
    }) : () -> ()
    %add3A_53 = arith.constant 1 : i32
    %add3A_54 = arith.addi %mul3A_2, %add3A_53 : i32
    %mul3A_55 = arith.constant 128 : i32
    %mul3A_56 = arith.muli %add3A_54, %mul3A_55 : i32
    %run_scoped3A_57 = arith.constant 1 : i32
    "tpu.region"() ({
      %run_scoped3A_58 = tpu.sem_alloc : memref<!tpu.dma_semaphore, #tpu.memory_space<semaphore_mem>>
      %dma_start3A_59 = arith.constant 0 : i32
      %dma_start3A_60 = arith.constant 0 : i32
      %dma_start3A_61 = tpu.memref_slice %arg6[%run_scoped3A_57, %dma_start3A_59, %dma_start3A_60] : memref<2x128x256xf32, #tpu.memory_space<vmem>> -> memref<1x128x256xf32, #tpu.memory_space<vmem>>
      %dma_start3A_62 = tpu.memref_squeeze %dma_start3A_61 : memref<1x128x256xf32, #tpu.memory_space<vmem>> -> memref<128x256xf32, #tpu.memory_space<vmem>>
      %dma_start3A_63 = arith.constant 0 : i32
      %dma_start3A_64 = tpu.memref_slice %arg4[%mul3A_56, %dma_start3A_63] : memref<8192x256xf32, #tpu.memory_space<hbm>> -> memref<128x256xf32, #tpu.memory_space<hbm>>
      %dma_start3A_65 = arith.constant 0 : i32
      %dma_start3A_66 = tpu.memref_slice %arg4[%mul3A_56, %dma_start3A_65] : memref<8192x256xf32, #tpu.memory_space<hbm>> -> memref<128x256xf32, #tpu.memory_space<hbm>>
      %dma_start3A_67 = arith.constant 0 : i32
      %dma_start3A_68 = arith.constant 0 : i32
      %dma_start3A_69 = tpu.memref_slice %arg6[%run_scoped3A_57, %dma_start3A_67, %dma_start3A_68] : memref<2x128x256xf32, #tpu.memory_space<vmem>> -> memref<1x128x256xf32, #tpu.memory_space<vmem>>
      %dma_start3A_70 = tpu.memref_squeeze %dma_start3A_69 : memref<1x128x256xf32, #tpu.memory_space<vmem>> -> memref<128x256xf32, #tpu.memory_space<vmem>>
      tpu.enqueue_dma source(%dma_start3A_70 : memref<128x256xf32, #tpu.memory_space<vmem>>) target(%dma_start3A_66 : memref<128x256xf32, #tpu.memory_space<hbm>>) target_semaphore(%run_scoped3A_58 : memref<!tpu.dma_semaphore, #tpu.memory_space<semaphore_mem>>)
      %dma_wait3A_71 = arith.constant 0 : i32
      %dma_wait3A_72 = arith.constant 0 : i32
      %dma_wait3A_73 = tpu.memref_slice %arg6[%run_scoped3A_57, %dma_wait3A_71, %dma_wait3A_72] : memref<2x128x256xf32, #tpu.memory_space<vmem>> -> memref<1x128x256xf32, #tpu.memory_space<vmem>>
      %dma_wait3A_74 = tpu.memref_squeeze %dma_wait3A_73 : memref<1x128x256xf32, #tpu.memory_space<vmem>> -> memref<128x256xf32, #tpu.memory_space<vmem>>
      %dma_wait3A_75 = arith.constant 0 : i32
      %dma_wait3A_76 = tpu.memref_slice %arg4[%mul3A_56, %dma_wait3A_75] : memref<8192x256xf32, #tpu.memory_space<hbm>> -> memref<128x256xf32, #tpu.memory_space<hbm>>
      %dma_wait3A_77 = arith.constant 0 : i32
      %dma_wait3A_78 = tpu.memref_slice %arg4[%mul3A_56, %dma_wait3A_77] : memref<8192x256xf32, #tpu.memory_space<hbm>> -> memref<128x256xf32, #tpu.memory_space<hbm>>
      %dma_wait3A_79 = arith.constant 0 : i32
      %dma_wait3A_80 = arith.constant 0 : i32
      %dma_wait3A_81 = tpu.memref_slice %arg6[%run_scoped3A_57, %dma_wait3A_79, %dma_wait3A_80] : memref<2x128x256xf32, #tpu.memory_space<vmem>> -> memref<1x128x256xf32, #tpu.memory_space<vmem>>
      %dma_wait3A_82 = tpu.memref_squeeze %dma_wait3A_81 : memref<1x128x256xf32, #tpu.memory_space<vmem>> -> memref<128x256xf32, #tpu.memory_space<vmem>>
      tpu.wait_dma2 semaphore(%run_scoped3A_58 : memref<!tpu.dma_semaphore, #tpu.memory_space<semaphore_mem>>) src(%dma_wait3A_82 : memref<128x256xf32, #tpu.memory_space<vmem>>) dst(%dma_wait3A_78 : memref<128x256xf32, #tpu.memory_space<hbm>>)
      tpu.yield
    }) : () -> ()
    return
  }
}

module attributes {stable_mosaic.version = 14 : i64} {
  func.func @_tc_body(%arg0: i32, %arg1: memref<1x16x1024xi32, #tpu.memory_space<vmem>>, %arg2: memref<1x1024x256xf32, #tpu.memory_space<vmem>>, %arg3: memref<768x512xf32, #tpu.memory_space<vmem>>, %arg4: memref<1x512xf32, #tpu.memory_space<vmem>>, %arg5: memref<128x512xf32, #tpu.memory_space<vmem>>, %arg6: memref<1x128xf32, #tpu.memory_space<vmem>>, %arg7: memref<1x1x128xf32, #tpu.memory_space<vmem>>, %arg8: memref<1024x1024xf32, #tpu.memory_space<vmem>>, %arg9: memref<1024x1024xf32, #tpu.memory_space<vmem>>, %arg10: memref<16x1024xf32, #tpu.memory_space<vmem>>) attributes {dimension_semantics = [#tpu.dimension_semantics<arbitrary>], iteration_bounds = array<i64: 8>, scalar_prefetch = 0 : i64, scratch_operands = 3 : i64, tpu.core_type = #tpu.core_type<tc>, window_params = [{transform_indices = @transform_0, window_bounds = array<i64: 1, 16, 1024>}, {transform_indices = @transform_1, window_bounds = array<i64: 1, 1024, 256>}, {pipeline_mode = #tpu.pipeline_mode<synchronous>, transform_indices = @transform_2, window_bounds = array<i64: 768, 512>}, {pipeline_mode = #tpu.pipeline_mode<synchronous>, transform_indices = @transform_3, window_bounds = array<i64: 1, 512>}, {pipeline_mode = #tpu.pipeline_mode<synchronous>, transform_indices = @transform_4, window_bounds = array<i64: 128, 512>}, {pipeline_mode = #tpu.pipeline_mode<synchronous>, transform_indices = @transform_5, window_bounds = array<i64: 1, 128>}, {transform_indices = @transform_6, window_bounds = array<i64: 1, 1, 128>}]} {
    %get3A = arith.constant 0 : index
    %get3A_0 = arith.constant 0 : index
    %get3A_1 = arith.constant 0 : index
    %get3A_2 = vector.load %arg1[%get3A, %get3A_0, %get3A_1] : memref<1x16x1024xi32, #tpu.memory_space<vmem>>, vector<1x16x1024xi32>
    %get3A_3 = vector.shape_cast %get3A_2 : vector<1x16x1024xi32> to vector<16x1024xi32>
    %get3A_4 = arith.constant 0 : index
    %get3A_5 = arith.constant 0 : index
    %get3A_6 = arith.constant 0 : index
    %get3A_7 = vector.load %arg2[%get3A_4, %get3A_5, %get3A_6] : memref<1x1024x256xf32, #tpu.memory_space<vmem>>, vector<1x1024x256xf32>
    %get3A_8 = vector.shape_cast %get3A_7 : vector<1x1024x256xf32> to vector<1024x256xf32>
    %ne3A = arith.constant 0 : i32
    %ne3A_9 = vector.broadcast %ne3A : i32 to vector<16x1024xi32>
    %ne3A_10 = arith.cmpi ne, %get3A_3, %ne3A_9 : vector<16x1024xi32>
    %jit3A = arith.constant 1.000000e+00 : f32
    %jit3A_11 = arith.constant 0.000000e+00 : f32
    %broadcast_in_dim3A = vector.broadcast %jit3A : f32 to vector<16x1024xf32>
    %broadcast_in_dim3A_12 = vector.broadcast %jit3A_11 : f32 to vector<16x1024xf32>
    %select_n3A = arith.select %ne3A_10, %broadcast_in_dim3A, %broadcast_in_dim3A_12 : vector<16x1024xi1>, vector<16x1024xf32>
    %reduce_sum3A = arith.constant dense<0.000000e+00> : vector<1024xf32>
    %reduce_sum3A_13 = vector.multi_reduction <add>, %select_n3A, %reduce_sum3A [0] : vector<16x1024xf32> to vector<1024xf32>
    %broadcast_in_dim3A_14 = vector.shape_cast %reduce_sum3A_13 : vector<1024xf32> to vector<1x1024xf32>
    %eq3A = arith.constant 1.000000e+00 : f32
    %eq3A_15 = vector.broadcast %eq3A : f32 to vector<1x1024xf32>
    %eq3A_16 = arith.cmpf oeq, %broadcast_in_dim3A_14, %eq3A_15 : vector<1x1024xf32>
    %sub3A = arith.constant 1.000000e+00 : f32
    %sub3A_17 = vector.broadcast %sub3A : f32 to vector<1x1024xf32>
    %sub3A_18 = arith.subf %broadcast_in_dim3A_14, %sub3A_17 : vector<1x1024xf32>
    %jit3A_19 = arith.constant 1.000000e+00 : f32
    %broadcast_in_dim3A_20 = vector.broadcast %jit3A_19 : f32 to vector<1x1024xf32>
    %select_n3A_21 = arith.select %eq3A_16, %broadcast_in_dim3A_20, %sub3A_18 : vector<1x1024xi1>, vector<1x1024xf32>
    %iota3A = tpu.iota {dimensions = array<i32: 0>} : vector<16x1024xi32>
    %convert_element_type3A = arith.sitofp %iota3A : vector<16x1024xi32> to vector<16x1024xf32>
    %eq3A_22 = arith.constant 0 : i32
    %eq3A_23 = vector.broadcast %eq3A_22 : i32 to vector<16x1024xi32>
    %eq3A_24 = arith.cmpi eq, %iota3A, %eq3A_23 : vector<16x1024xi32>
    %div3A = vector.broadcast %select_n3A_21 : vector<1x1024xf32> to vector<16x1024xf32>
    %div3A_25 = arith.divf %convert_element_type3A, %div3A : vector<16x1024xf32>
    %jit3A_26 = arith.constant 5.000000e-01 : f32
    %jit3A_27 = arith.constant 0.000000e+00 : f32
    %broadcast_in_dim3A_28 = vector.broadcast %jit3A_26 : f32 to vector<16x1024xf32>
    %broadcast_in_dim3A_29 = vector.broadcast %jit3A_27 : f32 to vector<16x1024xf32>
    %select_n3A_30 = arith.select %eq3A_24, %broadcast_in_dim3A_28, %broadcast_in_dim3A_29 : vector<16x1024xi1>, vector<16x1024xf32>
    %broadcast_in_dim3A_31 = vector.shape_cast %eq3A_16 : vector<1x1024xi1> to vector<1x1024xi1>
    %broadcast_in_dim3A_32 = vector.broadcast %broadcast_in_dim3A_31 : vector<1x1024xi1> to vector<16x1024xi1>
    %select_n3A_33 = arith.select %broadcast_in_dim3A_32, %select_n3A_30, %div3A_25 : vector<16x1024xi1>, vector<16x1024xf32>
    %swap3A = arith.constant 0 : index
    %swap3A_34 = arith.constant 0 : index
    %swap3A_35 = vector.load %arg10[%swap3A, %swap3A_34] : memref<16x1024xf32, #tpu.memory_space<vmem>>, vector<16x1024xf32>
    tpu.vector_store %arg10[%swap3A, %swap3A_34], %select_n3A_33 {strides = array<i32>} : memref<16x1024xf32, #tpu.memory_space<vmem>>, vector<16x1024xf32>,
    %iota3A_36 = tpu.iota {dimensions = array<i32: 0>} : vector<1024x1024xi32>
    %get3A_37 = arith.constant 0 : index
    %get3A_38 = arith.constant 0 : index
    %get3A_39 = arith.constant 0 : index
    %get3A_40 = vector.load %arg1[%get3A_37, %get3A_38, %get3A_39] : memref<1x16x1024xi32, #tpu.memory_space<vmem>>, vector<1x1x1024xi32>
    %get3A_41 = vector.shape_cast %get3A_40 : vector<1x1x1024xi32> to vector<1x1024xi32>
    %eq3A_42 = vector.broadcast %get3A_41 : vector<1x1024xi32> to vector<1024x1024xi32>
    %eq3A_43 = arith.cmpi eq, %iota3A_36, %eq3A_42 : vector<1024x1024xi32>
    %get3A_44 = arith.constant 0 : index
    %get3A_45 = arith.constant 0 : index
    %get3A_46 = vector.load %arg10[%get3A_44, %get3A_45] : memref<16x1024xf32, #tpu.memory_space<vmem>>, vector<1x1024xf32>
    %jit3A_47 = arith.constant 0.000000e+00 : f32
    %broadcast_in_dim3A_48 = vector.shape_cast %get3A_46 : vector<1x1024xf32> to vector<1x1024xf32>
    %broadcast_in_dim3A_49 = vector.broadcast %broadcast_in_dim3A_48 : vector<1x1024xf32> to vector<1024x1024xf32>
    %broadcast_in_dim3A_50 = vector.broadcast %jit3A_47 : f32 to vector<1024x1024xf32>
    %select_n3A_51 = arith.select %eq3A_43, %broadcast_in_dim3A_49, %broadcast_in_dim3A_50 : vector<1024x1024xi1>, vector<1024x1024xf32>
    %jit3A_52 = arith.constant 1.000000e+00 : f32
    %jit3A_53 = arith.constant 0.000000e+00 : f32
    %broadcast_in_dim3A_54 = vector.broadcast %jit3A_52 : f32 to vector<1024x1024xf32>
    %broadcast_in_dim3A_55 = vector.broadcast %jit3A_53 : f32 to vector<1024x1024xf32>
    %select_n3A_56 = arith.select %eq3A_43, %broadcast_in_dim3A_54, %broadcast_in_dim3A_55 : vector<1024x1024xi1>, vector<1024x1024xf32>
    %swap3A_57 = arith.constant 0 : index
    %swap3A_58 = arith.constant 0 : index
    %swap3A_59 = vector.load %arg8[%swap3A_57, %swap3A_58] : memref<1024x1024xf32, #tpu.memory_space<vmem>>, vector<1024x1024xf32>
    tpu.vector_store %arg8[%swap3A_57, %swap3A_58], %select_n3A_51 {strides = array<i32>} : memref<1024x1024xf32, #tpu.memory_space<vmem>>, vector<1024x1024xf32>,
    %swap3A_60 = arith.constant 0 : index
    %swap3A_61 = arith.constant 0 : index
    %swap3A_62 = vector.load %arg9[%swap3A_60, %swap3A_61] : memref<1024x1024xf32, #tpu.memory_space<vmem>>, vector<1024x1024xf32>
    tpu.vector_store %arg9[%swap3A_60, %swap3A_61], %select_n3A_56 {strides = array<i32>} : memref<1024x1024xf32, #tpu.memory_space<vmem>>, vector<1024x1024xf32>,
    %scan3A = arith.constant 1 : i32
    %scan3A_63 = arith.constant 15 : i32
    %scan3A_64 = arith.addi %scan3A, %scan3A_63 : i32
    %scan3A_65 = arith.constant 1 : i32
    scf.for %scan3A_110 = %scan3A to %scan3A_64 step %scan3A_65  : i32 {
      %get3A_111 = arith.constant 0 : index
      %get3A_112 = arith.index_cast %scan3A_110 : i32 to index
      %get3A_113 = arith.constant 0 : index
      %get3A_114 = vector.load %arg1[%get3A_111, %get3A_112, %get3A_113] : memref<1x16x1024xi32, #tpu.memory_space<vmem>>, vector<1x1x1024xi32>
      %get3A_115 = vector.shape_cast %get3A_114 : vector<1x1x1024xi32> to vector<1x1024xi32>
      %eq3A_116 = vector.broadcast %get3A_115 : vector<1x1024xi32> to vector<1024x1024xi32>
      %eq3A_117 = arith.cmpi eq, %iota3A_36, %eq3A_116 : vector<1024x1024xi32>
      %get3A_118 = arith.index_cast %scan3A_110 : i32 to index
      %get3A_119 = arith.constant 0 : index
      %get3A_120 = vector.load %arg10[%get3A_118, %get3A_119] : memref<16x1024xf32, #tpu.memory_space<vmem>>, vector<1x1024xf32>
      %jit3A_121 = arith.constant 0.000000e+00 : f32
      %broadcast_in_dim3A_122 = vector.shape_cast %get3A_120 : vector<1x1024xf32> to vector<1x1024xf32>
      %broadcast_in_dim3A_123 = vector.broadcast %broadcast_in_dim3A_122 : vector<1x1024xf32> to vector<1024x1024xf32>
      %broadcast_in_dim3A_124 = vector.broadcast %jit3A_121 : f32 to vector<1024x1024xf32>
      %select_n3A_125 = arith.select %eq3A_117, %broadcast_in_dim3A_123, %broadcast_in_dim3A_124 : vector<1024x1024xi1>, vector<1024x1024xf32>
      %jit3A_126 = arith.constant 1.000000e+00 : f32
      %jit3A_127 = arith.constant 0.000000e+00 : f32
      %broadcast_in_dim3A_128 = vector.broadcast %jit3A_126 : f32 to vector<1024x1024xf32>
      %broadcast_in_dim3A_129 = vector.broadcast %jit3A_127 : f32 to vector<1024x1024xf32>
      %select_n3A_130 = arith.select %eq3A_117, %broadcast_in_dim3A_128, %broadcast_in_dim3A_129 : vector<1024x1024xi1>, vector<1024x1024xf32>
      %get3A_131 = arith.constant 0 : index
      %get3A_132 = arith.constant 0 : index
      %get3A_133 = vector.load %arg8[%get3A_131, %get3A_132] : memref<1024x1024xf32, #tpu.memory_space<vmem>>, vector<1024x1024xf32>
      %add3A_134 = arith.addf %get3A_133, %select_n3A_125 : vector<1024x1024xf32>
      %swap3A_135 = arith.constant 0 : index
      %swap3A_136 = arith.constant 0 : index
      %swap3A_137 = vector.load %arg8[%swap3A_135, %swap3A_136] : memref<1024x1024xf32, #tpu.memory_space<vmem>>, vector<1024x1024xf32>
      tpu.vector_store %arg8[%swap3A_135, %swap3A_136], %add3A_134 {strides = array<i32>} : memref<1024x1024xf32, #tpu.memory_space<vmem>>, vector<1024x1024xf32>,
      %get3A_138 = arith.constant 0 : index
      %get3A_139 = arith.constant 0 : index
      %get3A_140 = vector.load %arg9[%get3A_138, %get3A_139] : memref<1024x1024xf32, #tpu.memory_space<vmem>>, vector<1024x1024xf32>
      %add3A_141 = arith.addf %get3A_140, %select_n3A_130 : vector<1024x1024xf32>
      %swap3A_142 = arith.constant 0 : index
      %swap3A_143 = arith.constant 0 : index
      %swap3A_144 = vector.load %arg9[%swap3A_142, %swap3A_143] : memref<1024x1024xf32, #tpu.memory_space<vmem>>, vector<1024x1024xf32>
      tpu.vector_store %arg9[%swap3A_142, %swap3A_143], %add3A_141 {strides = array<i32>} : memref<1024x1024xf32, #tpu.memory_space<vmem>>, vector<1024x1024xf32>,
    }
    %scan3A_66 = arith.constant 15 : i32
    %iota3A_67 = tpu.iota {dimensions = array<i32: 0>} : vector<1024x256xi32>
    %eq3A_68 = arith.constant 0 : i32
    %eq3A_69 = vector.broadcast %eq3A_68 : i32 to vector<1024x256xi32>
    %eq3A_70 = arith.cmpi eq, %iota3A_67, %eq3A_69 : vector<1024x256xi32>
    %jit3A_71 = arith.constant 0.000000e+00 : f32
    %broadcast_in_dim3A_72 = vector.broadcast %jit3A_71 : f32 to vector<1024x256xf32>
    %select_n3A_73 = arith.select %eq3A_70, %broadcast_in_dim3A_72, %get3A_8 : vector<1024x256xi1>, vector<1024x256xf32>
    %get3A_74 = arith.constant 0 : index
    %get3A_75 = arith.constant 0 : index
    %get3A_76 = vector.load %arg8[%get3A_74, %get3A_75] : memref<1024x1024xf32, #tpu.memory_space<vmem>>, vector<1024x1024xf32>
    %dot_general3A = arith.constant dense<0.000000e+00> : vector<1024x256xf32>
    %dot_general3A_77 = tpu.matmul %get3A_76, %select_n3A_73, %dot_general3A {dimension_numbers = #tpu.dot_dimension_numbers<[0], [0], [1], [1], [0, 1, 1, 1], [], []>, transpose_lhs_hint = false} : vector<1024x1024xf32>, vector<1024x256xf32>, vector<1024x256xf32> -> vector<1024x256xf32>
    %get3A_78 = arith.constant 0 : index
    %get3A_79 = arith.constant 0 : index
    %get3A_80 = vector.load %arg9[%get3A_78, %get3A_79] : memref<1024x1024xf32, #tpu.memory_space<vmem>>, vector<1024x1024xf32>
    %dot_general3A_81 = arith.constant dense<0.000000e+00> : vector<1024x256xf32>
    %dot_general3A_82 = tpu.matmul %get3A_80, %select_n3A_73, %dot_general3A_81 {dimension_numbers = #tpu.dot_dimension_numbers<[0], [0], [1], [1], [0, 1, 1, 1], [], []>, transpose_lhs_hint = false} : vector<1024x1024xf32>, vector<1024x256xf32>, vector<1024x256xf32> -> vector<1024x256xf32>
    %sub3A_83 = arith.subf %dot_general3A_82, %dot_general3A_77 : vector<1024x256xf32>
    %concatenate3A = tpu.concatenate %get3A_8, %dot_general3A_77, %sub3A_83 in 1 : vector<1024x256xf32>, vector<1024x256xf32>, vector<1024x256xf32> -> vector<1024x768xf32>
    %get3A_84 = arith.constant 0 : index
    %get3A_85 = arith.constant 0 : index
    %get3A_86 = vector.load %arg3[%get3A_84, %get3A_85] : memref<768x512xf32, #tpu.memory_space<vmem>>, vector<768x512xf32>
    %dot_general3A_87 = arith.constant dense<0.000000e+00> : vector<1024x512xf32>
    %dot_general3A_88 = tpu.matmul %concatenate3A, %get3A_86, %dot_general3A_87 {dimension_numbers = #tpu.dot_dimension_numbers<[1], [0], [0], [1], [0, 0, 1, 1], [], []>, transpose_lhs_hint = false} : vector<1024x768xf32>, vector<768x512xf32>, vector<1024x512xf32> -> vector<1024x512xf32>
    %get3A_89 = arith.constant 0 : index
    %get3A_90 = arith.constant 0 : index
    %get3A_91 = vector.load %arg4[%get3A_89, %get3A_90] : memref<1x512xf32, #tpu.memory_space<vmem>>, vector<1x512xf32>
    %add3A = vector.broadcast %get3A_91 : vector<1x512xf32> to vector<1024x512xf32>
    %add3A_92 = arith.addf %dot_general3A_88, %add3A : vector<1024x512xf32>
    %tanh3A = math.tanh %add3A_92 : vector<1024x512xf32>
    %reduce_max3A = arith.constant dense<0xFF800000> : vector<512xf32>
    %reduce_max3A_93 = vector.multi_reduction <maximumf>, %tanh3A, %reduce_max3A [0] : vector<1024x512xf32> to vector<512xf32>
    %broadcast_in_dim3A_94 = vector.shape_cast %reduce_max3A_93 : vector<512xf32> to vector<1x512xf32>
    %get3A_95 = arith.constant 0 : index
    %get3A_96 = arith.constant 0 : index
    %get3A_97 = vector.load %arg5[%get3A_95, %get3A_96] : memref<128x512xf32, #tpu.memory_space<vmem>>, vector<128x512xf32>
    %dot_general3A_98 = arith.constant dense<0.000000e+00> : vector<1x128xf32>
    %dot_general3A_99 = tpu.matmul %broadcast_in_dim3A_94, %get3A_97, %dot_general3A_98 {dimension_numbers = #tpu.dot_dimension_numbers<[1], [1], [0], [0], [0, 0, 1, 0], [], []>, transpose_lhs_hint = false} : vector<1x512xf32>, vector<128x512xf32>, vector<1x128xf32> -> vector<1x128xf32>
    %get3A_100 = arith.constant 0 : index
    %get3A_101 = arith.constant 0 : index
    %get3A_102 = vector.load %arg6[%get3A_100, %get3A_101] : memref<1x128xf32, #tpu.memory_space<vmem>>, vector<1x128xf32>
    %add3A_103 = arith.addf %dot_general3A_99, %get3A_102 : vector<1x128xf32>
    %swap3A_104 = arith.constant 0 : index
    %swap3A_105 = arith.constant 0 : index
    %swap3A_106 = arith.constant 0 : index
    %swap3A_107 = vector.load %arg7[%swap3A_104, %swap3A_105, %swap3A_106] : memref<1x1x128xf32, #tpu.memory_space<vmem>>, vector<1x1x128xf32>
    %swap3A_108 = vector.shape_cast %swap3A_107 : vector<1x1x128xf32> to vector<1x128xf32>
    %swap3A_109 = vector.shape_cast %add3A_103 : vector<1x128xf32> to vector<1x1x128xf32>
    tpu.vector_store %arg7[%swap3A_104, %swap3A_105, %swap3A_106], %swap3A_109 {strides = array<i32>} : memref<1x1x128xf32, #tpu.memory_space<vmem>>, vector<1x1x128xf32>,
    return
  }
  func.func @transform_0(%arg0: i32) -> (i32, i32, i32) {
    %c0_i32 = arith.constant 0 : i32
    %c0_i32_0 = arith.constant 0 : i32
    %c0_i32_1 = arith.constant 0 : i32
    return %arg0, %c0_i32, %c0_i32_0 : i32, i32, i32
  }
  func.func @transform_1(%arg0: i32) -> (i32, i32, i32) {
    %c0_i32 = arith.constant 0 : i32
    %c0_i32_0 = arith.constant 0 : i32
    %c0_i32_1 = arith.constant 0 : i32
    return %arg0, %c0_i32, %c0_i32_0 : i32, i32, i32
  }
  func.func @transform_2(%arg0: i32) -> (i32, i32) {
    %c0_i32 = arith.constant 0 : i32
    %c0_i32_0 = arith.constant 0 : i32
    %c0_i32_1 = arith.constant 0 : i32
    return %c0_i32, %c0_i32_0 : i32, i32
  }
  func.func @transform_3(%arg0: i32) -> (i32, i32) {
    %c0_i32 = arith.constant 0 : i32
    %c0_i32_0 = arith.constant 0 : i32
    %c0_i32_1 = arith.constant 0 : i32
    return %c0_i32, %c0_i32_0 : i32, i32
  }
  func.func @transform_4(%arg0: i32) -> (i32, i32) {
    %c0_i32 = arith.constant 0 : i32
    %c0_i32_0 = arith.constant 0 : i32
    %c0_i32_1 = arith.constant 0 : i32
    return %c0_i32, %c0_i32_0 : i32, i32
  }
  func.func @transform_5(%arg0: i32) -> (i32, i32) {
    %c0_i32 = arith.constant 0 : i32
    %c0_i32_0 = arith.constant 0 : i32
    %c0_i32_1 = arith.constant 0 : i32
    return %c0_i32, %c0_i32_0 : i32, i32
  }
  func.func @transform_6(%arg0: i32) -> (i32, i32, i32) {
    %c0_i32 = arith.constant 0 : i32
    %c0_i32_0 = arith.constant 0 : i32
    %c0_i32_1 = arith.constant 0 : i32
    return %arg0, %c0_i32, %c0_i32_0 : i32, i32, i32
  }
}

</mosaic_0001>

<sc_bundles>
// kernel: kernel.4.cloned.1.call-start
scs
__scs_entry_jumppad:
0x0: {  	(pc) =	sbr.rel $0x88, $3  }
0x1: {  	(tag) =	ssettag $0x0;
	lr =	simm.s32 $0x1  }
0x2: {  	[smem:$0x3F98] =	sst lr;
	_ =	strace $0xD0000000  }
0x3: {  	_ = 	snop  }
0x4: {  	_ = 	snop  }
0x5: {  	_ = 	snop  }
0x6: {  	_ = 	snop  }
0x7: {  	_ = 	snop  }
__scs_overlays_trampoline_lowered:
0x8: {  	[smem:$0x3FA7] =	sst s0  }
0x9: {  	[smem:$0x3FA8] =	sst s1  }
0xa: {  	[smem:$0x3FA9] =	sst s2  }
0xb: {  	[smem:$0x3FAA] =	sst s3  }
0xc: {  	[smem:$0x3FAB] =	sst s4  }
0xd: {  	[smem:$0x3FAC] =	sst s5  }
0xe: {  	[smem:$0x3FAD] =	sst s6  }
0xf: {  	[smem:$0x3FAE] =	sst s7  }
0x10: {  	[smem:$0x3FAF] =	sst s8  }
0x11: {  	[smem:$0x3FB0] =	sst s9;
	s0 =	simm.s32 @!p0 $0x0  }
0x12: {  	s1 =	sld [smem:$0x3F96];
	s0 =	simm.s32 @p0 $0x1  }
0x13: {  	[smem:$0x3FB1] =	sst s0;
	s0 =	simm.s32 @!p1 $0x0  }
0x14: {  	s2 =	sld [smem:$0x3F95];
	s0 =	simm.s32 @p1 $0x1  }
0x15: {  	[smem:$0x3FB2] =	sst s0;
	s0 =	simm.s32 @!p2 $0x0  }
0x16: {  	s3 =	sld [smem:$0x3FDB];
	s0 =	simm.s32 @p2 $0x1  }
0x17: {  	s4 =	simm.s32 $0x1BF5;
	[smem:$0x3FB4] =	sst s0  }
0x18: {  	s0 =	sld [smem:$0x3F97];
	_ =	swait.ge [sflag:s4], $0x0  }
0x19: {  	s7 =	sld [smem:$0x3F98]  }
0x1a: {  	s8 =	sadd.s32 $0xFFFFE003, lr  }
0x1b: {  	s9 =	sadd.s32 $0xFFFFFEF7, lr;
	s5 =	simm.s32 $0xFFFFFFFF;
	p2 =	slt.u32 s8, $0xFFFFF086  }
0x1c: {  	p1 =	slt.u32 s9, $0xF7A;
	s5 =	simm.s32 @!p2 $0x0  }
0x1d: {  	s5 =	simm.s32 @p1 $0x1;
	p0 =	seq.s32 s7, s2  }
0x1e: {  	s7 =	smul.u32 @!p0 $0xF7A, s2;
	p2 =	seq.s32 @!p0 s5, $0x0  }
0x1f: {  	s9 =	smul.u32 $0xF7A, s1;
	s8 =	simm.s32 @!p0 $0x1BF5;
	p2 =	por !p2, p0  }
0x20: {  	[sflag:s8] =	ssyncset.s32 @!p0 $0xFFFFF086;
	s6 =	sadd.s32 @!p0 s3, s7;
	s7 =	simm.s32 @!p0 $0x108  }
0x21: {  	s3 =	sadd.s32 s3, s9;
	s6 =	sadd.s32 @!p0 $0x88, s6;
	s7 =	simm.s32 @p2 $0x1082  }
0x22: {  	[simem:s7], [sflag:s8] =	dma.local @!p0 [hbm:s6], $0xF7A  }
0x23: {  	s9 =	sor.u32 $0xD0000000, s2;
	s6 =	simm.s32 $0x108;
	_ =	swait.ge @!p0 [sflag:s8], $0x0  }
0x24: {  	s3 =	sadd.s32 $0x88, s3;
	s6 =	simm.s32 @!p1 $0x1082;
	[sflag:s4] =	ssyncset.s32 $0xFFFFF086  }
0x25: {  	[simem:s6], [sflag:s4] =	dma.local [hbm:s3], $0xF7A  }
0x26: {  	[smem:$0x3F98] =	sst s1;
	(tag) =	ssettag s2;
	_ =	strace s9  }
0x27: {  	s1 =	sld [smem:$0x3FA8]  }
0x28: {  	s2 =	sld [smem:$0x3FA9]  }
0x29: {  	s4 =	sld [smem:$0x3FAB]  }
0x2a: {  	p0 =	seq.s32 s5, $0x0;
	s5 =	sld [smem:$0x3FAC]  }
0x2b: {  	s6 =	sld [smem:$0x3FAD]  }
0x2c: {  	s7 =	sld [smem:$0x3FAE]  }
0x2d: {  	s3 =	simm.s32 $0x108;
	s8 =	sld [smem:$0x3FAF]  }
0x2e: {  	s3 =	simm.s32 @!p0 $0x1082;
	s9 =	sld [smem:$0x3FB0]  }
0x2f: {  	lr =	sadd.s32 s0, s3;
	s0 =	sld [smem:$0x3FA7]  }
0x30: {  	s3 =	sld [smem:$0x3FAA]  }
0x31: {  	[smem:$0x3FB3] =	sst s10  }
0x32: {  	s10 =	sld [smem:$0x3FB1];
	_ =	sdelay $0x3  }
0x33: {  	p0 =	seq.s32 s10, $0x1;
	s10 =	sld [smem:$0x3FB3];
	_ =	sdelay $0x3  }
0x34: {  	[smem:$0x3FB3] =	sst s10  }
0x35: {  	s10 =	sld [smem:$0x3FB2];
	_ =	sdelay $0x3  }
0x36: {  	p1 =	seq.s32 s10, $0x1;
	s10 =	sld [smem:$0x3FB3];
	_ =	sdelay $0x3  }
0x37: {  	[smem:$0x3FB3] =	sst s10  }
0x38: {  	s10 =	sld [smem:$0x3FB4]  }
0x39: {  	_ = 	snop;
	(pc) =	sbr.ind lr, $3  }
0x3a: {  	_ = 	snop  }
0x3b: {  	_ = 	snop  }
0x3c: {  	p2 =	seq.s32 s10, $0x1;
	s10 =	sld [smem:$0x3FB3]  }
0x3d: {  	_ =	shalt  }
0x3e: {  	_ =	shalt  }
0x3f: {  	_ =	shalt  }
0x40: {  	_ =	shalt  }
0x41: {  	_ =	shalt  }
0x42: {  	_ =	shalt  }
0x43: {  	_ =	shalt  }
0x44: {  	_ =	shalt  }
0x45: {  	_ =	shalt  }
0x46: {  	_ =	shalt  }
0x47: {  	_ =	shalt  }
0x48: {  	_ =	shalt  }
0x49: {  	_ =	shalt  }
0x4a: {  	_ =	shalt  }
0x4b: {  	_ =	shalt  }
0x4c: {  	_ =	shalt  }
0x4d: {  	_ =	shalt  }
0x4e: {  	_ =	shalt  }
0x4f: {  	_ =	shalt  }
0x50: {  	_ =	shalt  }
0x51: {  	_ =	shalt  }
0x52: {  	_ =	shalt  }
0x53: {  	_ =	shalt  }
0x54: {  	_ =	shalt  }
0x55: {  	_ =	shalt  }
0x56: {  	_ =	shalt  }
0x57: {  	_ =	shalt  }
0x58: {  	_ =	shalt  }
0x59: {  	_ =	shalt  }
0x5a: {  	_ =	shalt  }
0x5b: {  	_ =	shalt  }
0x5c: {  	_ =	shalt  }
0x5d: {  	_ =	shalt  }
0x5e: {  	_ =	shalt  }
0x5f: {  	_ =	shalt  }
0x60: {  	_ =	shalt  }
0x61: {  	_ =	shalt  }
0x62: {  	_ =	shalt  }
0x63: {  	_ =	shalt  }
0x64: {  	_ =	shalt  }
0x65: {  	_ =	shalt  }
0x66: {  	_ =	shalt  }
0x67: {  	_ =	shalt  }
0x68: {  	_ =	shalt  }
0x69: {  	_ =	shalt  }
0x6a: {  	_ =	shalt  }
0x6b: {  	_ =	shalt  }
0x6c: {  	_ =	shalt  }
0x6d: {  	_ =	shalt  }
0x6e: {  	_ =	shalt  }
0x6f: {  	_ =	shalt  }
0x70: {  	_ =	shalt  }
0x71: {  	_ =	shalt  }
0x72: {  	_ =	shalt  }
0x73: {  	_ =	shalt  }
0x74: {  	_ =	shalt  }
0x75: {  	_ =	shalt  }
0x76: {  	_ =	shalt  }
0x77: {  	_ =	shalt  }
0x78: {  	_ =	shalt  }
0x79: {  	_ =	shalt  }
0x7a: {  	_ =	shalt  }
0x7b: {  	_ =	shalt  }
0x7c: {  	_ =	shalt  }
0x7d: {  	_ =	shalt  }
0x7e: {  	_ =	shalt  }
0x7f: {  	_ =	shalt  }
0x80: {  	_ =	shalt  }
0x81: {  	_ =	shalt  }
0x82: {  	_ =	shalt  }
0x83: {  	_ =	shalt  }
0x84: {  	_ =	shalt  }
0x85: {  	_ =	shalt  }
0x86: {  	_ =	shalt  }
0x87: {  	_ =	shalt  }
.Lfunc_end0:
.L_simem_size_0:
called_computation_lowered:
.L_overlay_start_0:
0x88: {  	s2 =	sld [smem:$0x3FD9]  }
0x89: {  	s3 =	sld [smem:$0x3FFE];
	_ =	sdelay $0x1  }
0x8a: {  	s1 =	srdreg.scid  }
0x8b: {  	s0 =	sand.u32 $0x1, s1  }
0x8c: {  	s17 =	sshll.u32 s0, $0xA;
	s2 =	sadd.s32 s3, s2  }
0x8d: {  	s2 =	sadd.s32 s2, s17  }
0x8e: {  	[smem:$0x3FBF] =	sst s2  }
0x8f: {  	_ = 	snop  }
0x90: {  	s2 =	sld [smem:$0x3FC7];
	(tm) =	ssettm $0x1  }
0x91: {  	s18 =	sld [smem:$0x3FFB];
	_ =	sdelay $0x3  }
0x92: {  	_ =	strace s18  }
0x93: {  	s3 =	sld [smem:$0x3FFC];
	_ =	sdelay $0x3  }
0x94: {  	_ =	strace s3  }
0x95: {  	s3 =	sld [smem:$0x3FFD];
	_ =	sdelay $0x3  }
0x96: {  	_ =	strace s3  }
0x97: {  	_ =	strace $0x8FFFFFFF  }
0x98: {  	s19 =	sld [smem:$0x3FDB];
	_ =	sdelay $0x1  }
0x99: {  	s4 =	simm.s32 $_scs_section_size  }
0x9a: {  	s5 =	simm.s32 $_size__tile_overlayer_lowered;
	s6 =	simm.s32 $_tile_overlayer_lowered  }
0x9b: {  	s22 =	simm.s32 $0x1BFF;
	s21 =	sshll.u32 s6, $0x1;
	s3 =	sadd.s32 s4, s19  }
0x9c: {  	s7 =	simm.s32 $0x0;
	s20 =	sshll.u32 s5, $0x1;
	s5 =	sadd.s32 s21, s3  }
0x9d: {  	[timem:s7], [sflag:s22] =	dma.local [hbm:s5], s20  }
0x9e: {  	_ =	swait.ge [sflag:s22], s20  }
0x9f: {  	s4 =	ssub.s32 $0x0, s20;
	[sflag:s22] =	ssyncset.done $0x0  }
0xa0: {  	[sflag:s22] =	ssyncadd.s32 s4;
	_ =	sdelay $0x1  }
0xa1: {  	s23 =	simm.s32 $0x1B8B  }
0xa2: {  	_ =	swait.ge [sflag:s23], $0x1  }
0xa3: {  	[sflag:s23] =	ssyncset.done $0x0  }
0xa4: {  	s25 =	simm.s32 $0x1B8E;
	s24 =	sld [smem:$0x3FFE];
	[sflag:s23] =	ssyncadd.s32 $0xFFFFFFFF  }
0xa5: {  	s26 =	simm.s32 $execute0_lowered;
	[smem:$0x3FD2] =	sst s25  }
0xa6: {  	s5 =	sshll.u32 s26, $0x1;
	_ =	strace $0x80000046;
	[dreg:$0x1] =	wrdreg $0xFFFFFFFF  }
0xa7: {  	s28 =	simm.s32 $_size_execute0_lowered;
	s3 =	sadd.s32 s3, s5;
	[dreg:$0x0] =	wrdreg $0x0  }
0xa8: {  	s5 =	sshll.u32 s28, $0x1;
	[dreg:$0x2] =	wrdreg s3  }
0xa9: {  	[dreg:$0x3] =	wrdreg s5  }
0xaa: {  	[dreg:$0x4] =	wrdreg $0xC0  }
0xab: {  	_ =	task [dreg:s7], $0x5FFFF  }
0xac: {  	[dreg:$0x1] =	wrdreg $0xFFFFFFFF  }
0xad: {  	[dreg:$0x0] =	wrdreg $0x60  }
0xae: {  	[dreg:$0x2] =	wrdreg s2  }
0xaf: {  	[dreg:$0x3] =	wrdreg s24  }
0xb0: {  	[dreg:$0x4] =	wrdreg $0x9  }
0xb1: {  	_ =	task.clear_ibuf [dreg:s7], $0x5FFFF;
	_ =	strace $0x90000046  }
0xb2: {  	s29 =	simm.s32 $0x9;
	_ =	strace $0x80000048  }
0xb3: {  	_ =	swait.ge [sflag:s29], $0x1  }
0xb4: {  	[sflag:s29] =	ssyncadd.s32 $0xFFFFFFFF  }
0xb5: {  	_ =	strace $0x90000048  }
0xb6: {  	_ =	sfence  }
0xb7: {  	s30 =	sld [smem:$0x0];
	_ =	sdelay $0x2  }
0xb8: {  	s31 =	sshll.u32 s1, $0xD;
	s1 =	sshrl.u32 s1, $0x2  }
0xb9: {  	s3 =	sand.u32 $0x4000, s31;
	s1 =	sadd.s32 s1, s30  }
0xba: {  	s0 =	sor.u32 s3, s0;
	s1 =	sshll.u32 s1, $0x11  }
0xbb: {  	s0 =	sor.u32 s1, s0  }
0xbc: {  	s0 =	sadd.s32 $0x8F2B, s0  }
0xbd: {  	[sflag:s0] =	ssyncadd.remote.s32 $0x1  }
0xbe: {  	_ =	sfence.sel $0xFFFF  }
0xbf: {  	[dreg:$0x0] =	wrdreg $0xFFFFFFFF;
	(pc) =	sbr.abs _section_cstart, $3  }
0xc0: {  	[dreg:$0x1] =	wrdreg $0xFFFFFFFF  }
0xc1: {  	_ =	task.clear_ibuf [dreg:s7], $0x2FFFF;
	_ =	strace $0x9FFFFFFF  }
0xc2: {  	(tm) =	ssettm $0x7FFFFFFF  }
0xc3: {  	_ =	shalt  }
tec
execute0_lowered:
.L_overlay_start_1:
0x0: {  	(tag) =	ssettag $0x1  }
0x1: {  	s1 =	srdreg.scid;
	s2 =	rddreg [dreg:$0x0]  }
0x2: {  	s0 =	stileid.u32;
	s4 =	rddreg [dreg:$0x1]  }
0x3: {  	s19 =	simm.s32 $0x900;
	s20 =	simm.s32 $0x1100;
	s21 =	simm.s32 $0x1900  }
0x4: {  	s23 =	simm.s32 $0x2100;
	s24 =	simm.s32 $0x2900;
	s25 =	simm.s32 $0x3100  }
0x5: {  	s26 =	simm.s32 $0x3900;
	s8 =	simm.s32 $0x4900;
	s9 =	simm.s32 $0x5100  }
0x6: {  	s10 =	simm.s32 $0x5900;
	s11 =	simm.s32 $0x6100;
	s12 =	simm.s32 $0x6900  }
0x7: {  	s13 =	simm.s32 $0x7100;
	s1 =	sand.u32 $0x1, s1;
	s3 =	sshll.u32 s0, $0x1  }
0x8: {  	s14 =	simm.s32 $0x7900;
	s5 =	sor.u32 s1, s3;
	s3 =	simm.s32 $0x0  }
0x9: {  	s15 =	simm.s32 $0x8100;
	s16 =	simm.s32 $0x8900;
	[smem:$0x7FF] =	sst s3  }
0xa: {  	s28 =	simm.s32 $0xE100;
	_ =	strace $0x80000047;
	[dreg:$0x6] =	wrdreg s19  }
0xb: {  	s29 =	simm.s32 $0xE900;
	s30 =	simm.s32 $0xF100;
	[dreg:$0x7] =	wrdreg s20  }
0xc: {  	s31 =	simm.s32 $0xF900;
	s1 =	ssub.s32 $0x2, s1;
	[dreg:$0x8] =	wrdreg s21  }
0xd: {  	s6 =	sshll.u32 s5, $0x5;
	s5 =	sshll.u32 s5, $0xD;
	[dreg:$0x9] =	wrdreg s23  }
0xe: {  	s22 =	sshrl.u32 s1, $0x1;
	s6 =	sadd.s32 s6, s4;
	[dreg:$0xa] =	wrdreg s24  }
0xf: {  	s4 =	sadd.s32 s5, s4;
	s1 =	ssub.s32 s1, s22;
	[dreg:$0xb] =	wrdreg s25  }
0x10: {  	s5 =	simm.s32 $0x2;
	[dreg:$0xc] =	wrdreg s26;
	s19 =	simm.s32 $0xA100  }
0x11: {  	s20 =	simm.s32 $0xA900;
	s21 =	simm.s32 $0xB100;
	s22 =	simm.s32 $0xB900  }
0x12: {  	s23 =	simm.s32 $0xC100;
	s24 =	simm.s32 $0xC900;
	s17 =	sadd.s32 $0x1400, s6  }
0x13: {  	s25 =	simm.s32 $0xD100;
	s18 =	sadd.s32 $0x1800, s4;
	[dreg:$0x3] =	wrdreg s17  }
0x14: {  	v2 =	vlaneseq.u32;
	s26 =	simm.s32 $0xD900;
	s4 =	sadd.s32 $0x2800, s4;
	[dreg:$0x4] =	wrdreg s18  }
0x15: {  	vm0 =	vmmov $0xffff;
	v1 =	vshrl.u32 v2, $0x3;
	s6 =	simm.s32 $0x100;
	[dreg:$0x5] =	wrdreg s4;
	s4 =	smax.u32 s1, $0x1  }
0x16: {  	v0 =	vand.u32 $0x7, v2;
	v2 =	vor.u32 $0x8, v2;
	v1 =	vmul.u32 $0x8, v1;
	s17 =	simm.s32 $0x9100;
	s18 =	simm.s32 $0x9900;
	s1 =	simm.s32 $0x1  }
.LBB2_1:
0x17: {  	s0 =	rddreg [dreg:$0x3]  }
0x18: {  	[tilespmem:s3], [sflag:$0x2] =	stream.linear.gather [hbm4b:s0+s3], $0x100, $0x38;
	[tilespmem:$0x10100] =	vst v63  }
0x19: {  	_ =	swait.ge [sflag:s5], $0x100  }
0x1a: {  	[sflag:s5] =	ssyncset.done $0x0  }
0x1b: {  	[sflag:s5] =	ssyncadd.s32 $0xFFFFFF00  }
0x1c: {  	v3 =	vld [tilespmem:$0x0];
	_ =	sdelay $0x4  }
0x1d: {  	v4 =	vshll.u32 v3, $0x1  }
0x1e: {  	v3 =	vand.u32 $0x7, v3;
	v4 =	vand.u32 $0xFFFFFFF0, v4  }
0x1f: {  	v3 =	vor.u32 v3, v4  }
0x20: {  	v4 =	vperm.xlane v3, v0;
	_ =	sdelay $0x1  }
0x21: {  	v3 =	vperm.xlane v3, v2;
	v4 =	vadd.s32 v1, v4;
	_ =	sdelay $0x1  }
0x22: {  	v3 =	vadd.s32 v1, v3;
	_ =	sdelay $0x2  }
0x23: {  	[tilespmem:s6], [sflag:$0x1] =	stream.indirect_vreg.gather [hbm4b:s2+s3], $0x80, v4, vm0, $0xb8;
	[tilespmem:$0x10100] =	vst v63  }
0x24: {  	s7 =	rddreg [dreg:$0x6]  }
0x25: {  	[tilespmem:s7], [sflag:$0x1] =	stream.indirect_vreg.gather [hbm4b:s2+s3], $0x80, v3, vm0, $0xb8;
	[tilespmem:$0x10100] =	vst v63  }
0x26: {  	v3 =	vld [tilespmem:$0x10];
	_ =	sdelay $0x4  }
0x27: {  	v49 =	vshll.u32 v3, $0x1  }
0x28: {  	v3 =	vand.u32 $0x7, v3;
	v4 =	vand.u32 $0xFFFFFFF0, v49  }
0x29: {  	v3 =	vor.u32 v3, v4  }
0x2a: {  	v4 =	vperm.xlane v3, v0;
	_ =	sdelay $0x1  }
0x2b: {  	v3 =	vperm.xlane v3, v2;
	v4 =	vadd.s32 v1, v4;
	_ =	sdelay $0x1  }
0x2c: {  	v3 =	vadd.s32 v1, v3;
	_ =	sdelay $0x1  }
0x2d: {  	s0 =	rddreg [dreg:$0x7]  }
0x2e: {  	[tilespmem:s0], [sflag:$0x1] =	stream.indirect_vreg.gather [hbm4b:s2+s3], $0x80, v4, vm0, $0xb8;
	[tilespmem:$0x10100] =	vst v63  }
0x2f: {  	s7 =	rddreg [dreg:$0x8]  }
0x30: {  	[tilespmem:s7], [sflag:$0x1] =	stream.indirect_vreg.gather [hbm4b:s2+s3], $0x80, v3, vm0, $0xb8;
	[tilespmem:$0x10100] =	vst v63  }
0x31: {  	v3 =	vld [tilespmem:$0x20];
	_ =	sdelay $0x4  }
0x32: {  	v50 =	vshll.u32 v3, $0x1  }
0x33: {  	v3 =	vand.u32 $0x7, v3;
	v4 =	vand.u32 $0xFFFFFFF0, v50  }
0x34: {  	v3 =	vor.u32 v3, v4  }
0x35: {  	v4 =	vperm.xlane v3, v0;
	_ =	sdelay $0x1  }
0x36: {  	v3 =	vperm.xlane v3, v2;
	v4 =	vadd.s32 v1, v4;
	_ =	sdelay $0x1  }
0x37: {  	v3 =	vadd.s32 v1, v3;
	_ =	sdelay $0x1  }
0x38: {  	s0 =	rddreg [dreg:$0x9]  }
0x39: {  	[tilespmem:s0], [sflag:$0x1] =	stream.indirect_vreg.gather [hbm4b:s2+s3], $0x80, v4, vm0, $0xb8;
	[tilespmem:$0x10100] =	vst v63  }
0x3a: {  	s7 =	rddreg [dreg:$0xa]  }
0x3b: {  	[tilespmem:s7], [sflag:$0x1] =	stream.indirect_vreg.gather [hbm4b:s2+s3], $0x80, v3, vm0, $0xb8;
	[tilespmem:$0x10100] =	vst v63  }
0x3c: {  	v3 =	vld [tilespmem:$0x30];
	_ =	sdelay $0x4  }
0x3d: {  	v51 =	vshll.u32 v3, $0x1  }
0x3e: {  	v3 =	vand.u32 $0x7, v3;
	v4 =	vand.u32 $0xFFFFFFF0, v51  }
0x3f: {  	v3 =	vor.u32 v3, v4  }
0x40: {  	v4 =	vperm.xlane v3, v0;
	_ =	sdelay $0x1  }
0x41: {  	v3 =	vperm.xlane v3, v2;
	v4 =	vadd.s32 v1, v4;
	_ =	sdelay $0x1  }
0x42: {  	v3 =	vadd.s32 v1, v3;
	_ =	sdelay $0x1  }
0x43: {  	s0 =	rddreg [dreg:$0xb]  }
0x44: {  	[tilespmem:s0], [sflag:$0x1] =	stream.indirect_vreg.gather [hbm4b:s2+s3], $0x80, v4, vm0, $0xb8;
	[tilespmem:$0x10100] =	vst v63  }
0x45: {  	s7 =	rddreg [dreg:$0xc]  }
0x46: {  	[tilespmem:s7], [sflag:$0x1] =	stream.indirect_vreg.gather [hbm4b:s2+s3], $0x80, v3, vm0, $0xb8;
	[tilespmem:$0x10100] =	vst v63  }
0x47: {  	v3 =	vld [tilespmem:$0x40];
	_ =	sdelay $0x4  }
0x48: {  	v52 =	vshll.u32 v3, $0x1  }
0x49: {  	v3 =	vand.u32 $0x7, v3;
	v4 =	vand.u32 $0xFFFFFFF0, v52  }
0x4a: {  	v3 =	vor.u32 v3, v4  }
0x4b: {  	v4 =	vperm.xlane v3, v0;
	_ =	sdelay $0x1  }
0x4c: {  	v3 =	vperm.xlane v3, v2;
	v4 =	vadd.s32 v1, v4;
	_ =	sdelay $0x1  }
0x4d: {  	v3 =	vadd.s32 v1, v3;
	_ =	sdelay $0x1  }
0x4e: {  	s7 =	simm.s32 $0x4100  }
0x4f: {  	[tilespmem:s7], [sflag:$0x1] =	stream.indirect_vreg.gather [hbm4b:s2+s3], $0x80, v4, vm0, $0xb8;
	[tilespmem:$0x10100] =	vst v63  }
0x50: {  	_ = 	snop  }
0x51: {  	[tilespmem:s8], [sflag:$0x1] =	stream.indirect_vreg.gather [hbm4b:s2+s3], $0x80, v3, vm0, $0xb8;
	[tilespmem:$0x10100] =	vst v63  }
0x52: {  	v3 =	vld [tilespmem:$0x50];
	_ =	sdelay $0x4  }
0x53: {  	v53 =	vshll.u32 v3, $0x1  }
0x54: {  	v3 =	vand.u32 $0x7, v3;
	v4 =	vand.u32 $0xFFFFFFF0, v53  }
0x55: {  	v3 =	vor.u32 v3, v4  }
0x56: {  	v4 =	vperm.xlane v3, v0;
	_ =	sdelay $0x1  }
0x57: {  	v3 =	vperm.xlane v3, v2;
	v4 =	vadd.s32 v1, v4;
	_ =	sdelay $0x1  }
0x58: {  	v3 =	vadd.s32 v1, v3;
	_ =	sdelay $0x2  }
0x59: {  	[tilespmem:s9], [sflag:$0x1] =	stream.indirect_vreg.gather [hbm4b:s2+s3], $0x80, v4, vm0, $0xb8;
	[tilespmem:$0x10100] =	vst v63  }
0x5a: {  	_ = 	snop  }
0x5b: {  	[tilespmem:s10], [sflag:$0x1] =	stream.indirect_vreg.gather [hbm4b:s2+s3], $0x80, v3, vm0, $0xb8;
	[tilespmem:$0x10100] =	vst v63  }
0x5c: {  	v3 =	vld [tilespmem:$0x60];
	_ =	sdelay $0x4  }
0x5d: {  	v54 =	vshll.u32 v3, $0x1  }
0x5e: {  	v3 =	vand.u32 $0x7, v3;
	v4 =	vand.u32 $0xFFFFFFF0, v54  }
0x5f: {  	v3 =	vor.u32 v3, v4  }
0x60: {  	v4 =	vperm.xlane v3, v0;
	_ =	sdelay $0x1  }
0x61: {  	v3 =	vperm.xlane v3, v2;
	v4 =	vadd.s32 v1, v4;
	_ =	sdelay $0x1  }
0x62: {  	v3 =	vadd.s32 v1, v3;
	_ =	sdelay $0x2  }
0x63: {  	[tilespmem:s11], [sflag:$0x1] =	stream.indirect_vreg.gather [hbm4b:s2+s3], $0x80, v4, vm0, $0xb8;
	[tilespmem:$0x10100] =	vst v63  }
0x64: {  	_ = 	snop  }
0x65: {  	[tilespmem:s12], [sflag:$0x1] =	stream.indirect_vreg.gather [hbm4b:s2+s3], $0x80, v3, vm0, $0xb8;
	[tilespmem:$0x10100] =	vst v63  }
0x66: {  	v3 =	vld [tilespmem:$0x70];
	_ =	sdelay $0x4  }
0x67: {  	v55 =	vshll.u32 v3, $0x1  }
0x68: {  	v3 =	vand.u32 $0x7, v3;
	v4 =	vand.u32 $0xFFFFFFF0, v55  }
0x69: {  	v3 =	vor.u32 v3, v4  }
0x6a: {  	v4 =	vperm.xlane v3, v0;
	_ =	sdelay $0x1  }
0x6b: {  	v3 =	vperm.xlane v3, v2;
	v4 =	vadd.s32 v1, v4;
	_ =	sdelay $0x1  }
0x6c: {  	v3 =	vadd.s32 v1, v3;
	_ =	sdelay $0x2  }
0x6d: {  	[tilespmem:s13], [sflag:$0x1] =	stream.indirect_vreg.gather [hbm4b:s2+s3], $0x80, v4, vm0, $0xb8;
	[tilespmem:$0x10100] =	vst v63  }
0x6e: {  	_ = 	snop  }
0x6f: {  	[tilespmem:s14], [sflag:$0x1] =	stream.indirect_vreg.gather [hbm4b:s2+s3], $0x80, v3, vm0, $0xb8;
	[tilespmem:$0x10100] =	vst v63  }
0x70: {  	v3 =	vld [tilespmem:$0x80];
	_ =	sdelay $0x4  }
0x71: {  	v56 =	vshll.u32 v3, $0x1  }
0x72: {  	v3 =	vand.u32 $0x7, v3;
	v4 =	vand.u32 $0xFFFFFFF0, v56  }
0x73: {  	v3 =	vor.u32 v3, v4  }
0x74: {  	v4 =	vperm.xlane v3, v0;
	_ =	sdelay $0x1  }
0x75: {  	v3 =	vperm.xlane v3, v2;
	v4 =	vadd.s32 v1, v4;
	_ =	sdelay $0x1  }
0x76: {  	v3 =	vadd.s32 v1, v3;
	_ =	sdelay $0x2  }
0x77: {  	[tilespmem:s15], [sflag:$0x1] =	stream.indirect_vreg.gather [hbm4b:s2+s3], $0x80, v4, vm0, $0xb8;
	[tilespmem:$0x10100] =	vst v63  }
0x78: {  	_ = 	snop  }
0x79: {  	[tilespmem:s16], [sflag:$0x1] =	stream.indirect_vreg.gather [hbm4b:s2+s3], $0x80, v3, vm0, $0xb8;
	[tilespmem:$0x10100] =	vst v63  }
0x7a: {  	v3 =	vld [tilespmem:$0x90];
	_ =	sdelay $0x4  }
0x7b: {  	v57 =	vshll.u32 v3, $0x1  }
0x7c: {  	v3 =	vand.u32 $0x7, v3;
	v4 =	vand.u32 $0xFFFFFFF0, v57  }
0x7d: {  	v3 =	vor.u32 v3, v4  }
0x7e: {  	v4 =	vperm.xlane v3, v0;
	_ =	sdelay $0x1  }
0x7f: {  	v3 =	vperm.xlane v3, v2;
	v4 =	vadd.s32 v1, v4;
	_ =	sdelay $0x1  }
0x80: {  	v3 =	vadd.s32 v1, v3;
	_ =	sdelay $0x2  }
0x81: {  	[tilespmem:s17], [sflag:$0x1] =	stream.indirect_vreg.gather [hbm4b:s2+s3], $0x80, v4, vm0, $0xb8;
	[tilespmem:$0x10100] =	vst v63  }
0x82: {  	_ = 	snop  }
0x83: {  	[tilespmem:s18], [sflag:$0x1] =	stream.indirect_vreg.gather [hbm4b:s2+s3], $0x80, v3, vm0, $0xb8;
	[tilespmem:$0x10100] =	vst v63  }
0x84: {  	v3 =	vld [tilespmem:$0xA0];
	_ =	sdelay $0x4  }
0x85: {  	v58 =	vshll.u32 v3, $0x1  }
0x86: {  	v3 =	vand.u32 $0x7, v3;
	v4 =	vand.u32 $0xFFFFFFF0, v58  }
0x87: {  	v3 =	vor.u32 v3, v4  }
0x88: {  	v4 =	vperm.xlane v3, v0;
	_ =	sdelay $0x1  }
0x89: {  	v3 =	vperm.xlane v3, v2;
	v4 =	vadd.s32 v1, v4;
	_ =	sdelay $0x1  }
0x8a: {  	v3 =	vadd.s32 v1, v3;
	_ =	sdelay $0x2  }
0x8b: {  	[tilespmem:s19], [sflag:$0x1] =	stream.indirect_vreg.gather [hbm4b:s2+s3], $0x80, v4, vm0, $0xb8;
	[tilespmem:$0x10100] =	vst v63  }
0x8c: {  	_ = 	snop  }
0x8d: {  	[tilespmem:s20], [sflag:$0x1] =	stream.indirect_vreg.gather [hbm4b:s2+s3], $0x80, v3, vm0, $0xb8;
	[tilespmem:$0x10100] =	vst v63  }
0x8e: {  	v3 =	vld [tilespmem:$0xB0];
	_ =	sdelay $0x4  }
0x8f: {  	v59 =	vshll.u32 v3, $0x1  }
0x90: {  	v3 =	vand.u32 $0x7, v3;
	v4 =	vand.u32 $0xFFFFFFF0, v59  }
0x91: {  	v3 =	vor.u32 v3, v4  }
0x92: {  	v4 =	vperm.xlane v3, v0;
	_ =	sdelay $0x1  }
0x93: {  	v3 =	vperm.xlane v3, v2;
	v4 =	vadd.s32 v1, v4;
	_ =	sdelay $0x1  }
0x94: {  	v3 =	vadd.s32 v1, v3;
	_ =	sdelay $0x2  }
0x95: {  	[tilespmem:s21], [sflag:$0x1] =	stream.indirect_vreg.gather [hbm4b:s2+s3], $0x80, v4, vm0, $0xb8;
	[tilespmem:$0x10100] =	vst v63  }
0x96: {  	_ = 	snop  }
0x97: {  	[tilespmem:s22], [sflag:$0x1] =	stream.indirect_vreg.gather [hbm4b:s2+s3], $0x80, v3, vm0, $0xb8;
	[tilespmem:$0x10100] =	vst v63  }
0x98: {  	v3 =	vld [tilespmem:$0xC0];
	_ =	sdelay $0x4  }
0x99: {  	v60 =	vshll.u32 v3, $0x1  }
0x9a: {  	v3 =	vand.u32 $0x7, v3;
	v4 =	vand.u32 $0xFFFFFFF0, v60  }
0x9b: {  	v3 =	vor.u32 v3, v4  }
0x9c: {  	v4 =	vperm.xlane v3, v0;
	_ =	sdelay $0x1  }
0x9d: {  	v3 =	vperm.xlane v3, v2;
	v4 =	vadd.s32 v1, v4;
	_ =	sdelay $0x1  }
0x9e: {  	v3 =	vadd.s32 v1, v3;
	_ =	sdelay $0x2  }
0x9f: {  	[tilespmem:s23], [sflag:$0x1] =	stream.indirect_vreg.gather [hbm4b:s2+s3], $0x80, v4, vm0, $0xb8;
	[tilespmem:$0x10100] =	vst v63  }
0xa0: {  	_ = 	snop  }
0xa1: {  	[tilespmem:s24], [sflag:$0x1] =	stream.indirect_vreg.gather [hbm4b:s2+s3], $0x80, v3, vm0, $0xb8;
	[tilespmem:$0x10100] =	vst v63  }
0xa2: {  	v3 =	vld [tilespmem:$0xD0];
	_ =	sdelay $0x4  }
0xa3: {  	v61 =	vshll.u32 v3, $0x1  }
0xa4: {  	v3 =	vand.u32 $0x7, v3;
	v4 =	vand.u32 $0xFFFFFFF0, v61  }
0xa5: {  	v3 =	vor.u32 v3, v4  }
0xa6: {  	v4 =	vperm.xlane v3, v0;
	_ =	sdelay $0x1  }
0xa7: {  	v3 =	vperm.xlane v3, v2;
	v4 =	vadd.s32 v1, v4;
	_ =	sdelay $0x1  }
0xa8: {  	v3 =	vadd.s32 v1, v3;
	_ =	sdelay $0x2  }
0xa9: {  	[tilespmem:s25], [sflag:$0x1] =	stream.indirect_vreg.gather [hbm4b:s2+s3], $0x80, v4, vm0, $0xb8;
	[tilespmem:$0x10100] =	vst v63  }
0xaa: {  	_ = 	snop  }
0xab: {  	[tilespmem:s26], [sflag:$0x1] =	stream.indirect_vreg.gather [hbm4b:s2+s3], $0x80, v3, vm0, $0xb8;
	[tilespmem:$0x10100] =	vst v63  }
0xac: {  	v3 =	vld [tilespmem:$0xE0];
	_ =	sdelay $0x4  }
0xad: {  	v62 =	vshll.u32 v3, $0x1  }
0xae: {  	v3 =	vand.u32 $0x7, v3;
	v4 =	vand.u32 $0xFFFFFFF0, v62  }
0xaf: {  	v3 =	vor.u32 v3, v4  }
0xb0: {  	v4 =	vperm.xlane v3, v0;
	_ =	sdelay $0x1  }
0xb1: {  	v3 =	vperm.xlane v3, v2;
	v4 =	vadd.s32 v1, v4;
	_ =	sdelay $0x1  }
0xb2: {  	v3 =	vadd.s32 v1, v3;
	_ =	sdelay $0x2  }
0xb3: {  	[tilespmem:s28], [sflag:$0x1] =	stream.indirect_vreg.gather [hbm4b:s2+s3], $0x80, v4, vm0, $0xb8;
	[tilespmem:$0x10100] =	vst v63  }
0xb4: {  	_ = 	snop  }
0xb5: {  	[tilespmem:s29], [sflag:$0x1] =	stream.indirect_vreg.gather [hbm4b:s2+s3], $0x80, v3, vm0, $0xb8;
	[tilespmem:$0x10100] =	vst v63  }
0xb6: {  	v3 =	vld [tilespmem:$0xF0];
	_ =	sdelay $0x4  }
0xb7: {  	v63 =	vshll.u32 v3, $0x1  }
0xb8: {  	v3 =	vand.u32 $0x7, v3;
	v4 =	vand.u32 $0xFFFFFFF0, v63  }
0xb9: {  	v3 =	vor.u32 v3, v4  }
0xba: {  	v4 =	vperm.xlane v3, v0;
	_ =	sdelay $0x1  }
0xbb: {  	v3 =	vperm.xlane v3, v2;
	v4 =	vadd.s32 v1, v4;
	_ =	sdelay $0x1  }
0xbc: {  	v3 =	vadd.s32 v1, v3;
	_ =	sdelay $0x2  }
0xbd: {  	[tilespmem:s30], [sflag:$0x1] =	stream.indirect_vreg.gather [hbm4b:s2+s3], $0x80, v4, vm0, $0xb8;
	[tilespmem:$0x10100] =	vst v63  }
0xbe: {  	_ = 	snop  }
0xbf: {  	[tilespmem:s31], [sflag:$0x1] =	stream.indirect_vreg.gather [hbm4b:s2+s3], $0x80, v3, vm0, $0xb8;
	[tilespmem:$0x10100] =	vst v63  }
0xc0: {  	_ =	swait.ge [sflag:s1], $0x8000  }
0xc1: {  	[sflag:s1] =	ssyncset.done $0x0  }
0xc2: {  	[sflag:s1] =	ssyncadd.s32 $0xFFFF8000  }
0xc3: {  	_ =	swait.ge [sflag:s1], $0x8000  }
0xc4: {  	[sflag:s1] =	ssyncset.done $0x0  }
0xc5: {  	s7 =	rddreg [dreg:$0x4];
	[sflag:s1] =	ssyncadd.s32 $0xFFFF8000  }
0xc6: {  	[hbm4b:s7+s3] =	stream.linear.scatter [tilespmem:s6], [sflag:$0x2], $0x8000, $0x38;
	[tilespmem:$0x10100] =	vst v63  }
0xc7: {  	_ =	swait.ge [sflag:s5], $0x8000  }
0xc8: {  	p0 =	sne.s32 s4, $0x1;
	[sflag:s5] =	ssyncset.done $0x0  }
.Ltmp0:
0xc9: {  	s7 =	rddreg [dreg:$0x5];
	[sflag:s5] =	ssyncadd.s32 $0xFFFF8000;
	(pc) =	sbr.rel @p0 .LBB2_1-.Ltmp0, $4  }
0xca: {  	[hbm4b:s7+s3] =	stream.linear.scatter [tilespmem:s15], [sflag:$0x2], $0x8000, $0x38;
	[tilespmem:$0x10100] =	vst v63  }
0xcb: {  	_ =	swait.ge [sflag:s5], $0x8000  }
0xcc: {  	[sflag:s5] =	ssyncset.done $0x0  }
0xcd: {  	s4 =	sadd.s32 $0xFFFFFFFF, s4;
	[sflag:s5] =	ssyncadd.s32 $0xFFFF8000  }
0xce: {  	_ =	sfence.sel $0x180000  }
0xcf: {  	[bflag:$0x0] =	sbarrier.arrive $0xFFFF  }
0xd0: {  	_ =	strace $0x90000047  }
0xd1: {  	s0 =	stileid.u32;
	[bflag:$0x2] =	sbarrier.arrive $0xFFFF  }
0xd2: {  	p0 =	sne.s32 s0, $0x0;
	s0 =	rddreg [dreg:$0x2]  }
0xd3: {  	s0 =	sadd.s32 @!p0 $0x100000, s0  }
0xd4: {  	[sflag:s0] =	ssyncadd.tile.s32 @!p0 $0x1;
	_ =	shalt  }
.Lfunc_end2:
_tile_overlayer_lowered:
.L_overlay_start_2:
0xd5: {  	(tag) =	ssettag $0x2  }
0xd6: {  	s0 =	rddreg [dreg:$0x0];
	s2 =	stileid.u32  }
0xd7: {  	s1 =	rddreg [dreg:$0x1];
	p0 =	sne.s32 s2, $0x0  }
0xd8: {  	s3 =	rddreg [dreg:$0x2];
	[bflag:$0x3] =	sbarrier.arrive $0xFFFF;
	s2 =	simm.s32 @!p0 $0x1C02  }
0xd9: {  	[timem:s3], [sflag:s2] =	dma.local @!p0 [hbm:s0], s1  }
0xda: {  	s0 =	simm.s32 @!p0 $0x2  }
0xdb: {  	_ =	swait.ge @!p0 [sflag:s0], s1  }
0xdc: {  	s1 =	ssub.s32 @!p0 $0x0, s1;
	[sflag:s0] =	ssyncset.done @!p0 $0x0  }
0xdd: {  	[sflag:s0] =	ssyncadd.s32 @!p0 s1  }
0xde: {  	[bflag:$0x3] =	sbarrier.arrive $0xFFFF  }
0xdf: {  	_ =	shalt  }

</sc_bundles>
